<compile_context>
chip_gen: v7x
topology: tpu7x:2x2x1
jax: 0.10.2.dev20260603
libtpu: 0.0.44.dev20260713+nightly
codegen_flags: <defaults>
</compile_context>

<pallas_src>
import functools

import jax
import jax.numpy as jnp
from jax import lax
from jax.experimental import pallas as pl
from jax.experimental.pallas import tpu as pltpu
from jax.experimental.pallas import tpu_sc as plsc

GAMMA = 12.0
HIDDEN = 64
LANES = 16
NC = 2
NS = 16
NW = NC * NS


def _sc_body(heads, rels, tails, etab, rtab, wsplit, out,
             hidx, ridx, tidx, hrow, rrow, trow, wv,
             absb, dotb, outv, sem_h, sem_r, sem_t, b_per_w):
    wid = lax.axis_index("s") * NC + lax.axis_index("c")
    base = wid * b_per_w

    pltpu.sync_copy(heads.at[pl.ds(base, b_per_w)], hidx)
    pltpu.sync_copy(rels.at[pl.ds(base, b_per_w)], ridx)
    pltpu.sync_copy(tails.at[pl.ds(base, b_per_w)], tidx)
    pltpu.sync_copy(wsplit, wv)

    cp_h = pltpu.async_copy(etab.at[hidx], hrow, sem_h)
    cp_r = pltpu.async_copy(rtab.at[ridx], rrow, sem_r)
    cp_t = pltpu.async_copy(etab.at[tidx], trow, sem_t)
    cp_h.wait()
    cp_r.wait()
    cp_t.wait()

    wregs = [wv[i] for i in range(4)]
    bvec = wv[4]

    def triple_body(j, carry):
        acc_abs = jnp.zeros((LANES,), jnp.float32)
        acc_dot = jnp.zeros((LANES,), jnp.float32)
        for c in range(4):
            hv = hrow[j, pl.ds(LANES * c, LANES)]
            rv = rrow[j, pl.ds(LANES * c, LANES)]
            tv = trow[j, pl.ds(LANES * c, LANES)]
            z = (hv + rv) - tv
            acc_abs = acc_abs + jnp.abs(z)
            acc_dot = acc_dot + z * wregs[c]
        absb[j] = plsc.cumsum(acc_abs)
        dotb[j] = plsc.cumsum(acc_dot)
        return carry

    lax.fori_loop(0, b_per_w, triple_body, 0)

    riota = lax.iota(jnp.int32, LANES)
    col15 = jnp.full((LANES,), LANES - 1, jnp.int32)

    def group_body(g, carry):
        gbase = g * LANES
        rows = riota + gbase
        sa = plsc.load_gather(absb, [rows, col15])
        sd = plsc.load_gather(dotb, [rows, col15]) + bvec
        dcoef = 1.0 / (1.0 + jnp.exp(-sd))
        outv[pl.ds(gbase, LANES)] = GAMMA - dcoef * sa
        return carry

    lax.fori_loop(0, b_per_w // LANES, group_body, 0)

    pltpu.sync_copy(outv, out.at[pl.ds(base, b_per_w)])


def _run(heads, rels, tails, etab, rtab, wsplit):
    batch = heads.shape[0]
    b_per_w = batch // NW
    mesh = plsc.VectorSubcoreMesh(core_axis_name="c", subcore_axis_name="s")
    kern = functools.partial(
        pl.kernel,
        out_type=jax.ShapeDtypeStruct((batch,), jnp.float32),
        mesh=mesh,
        compiler_params=pltpu.CompilerParams(
            needs_layout_passes=False, use_tc_tiling_on_sc=False),
        scratch_types=[
            pltpu.VMEM((b_per_w,), jnp.int32),
            pltpu.VMEM((b_per_w,), jnp.int32),
            pltpu.VMEM((b_per_w,), jnp.int32),
            pltpu.VMEM((b_per_w, HIDDEN), jnp.float32),
            pltpu.VMEM((b_per_w, HIDDEN), jnp.float32),
            pltpu.VMEM((b_per_w, HIDDEN), jnp.float32),
            pltpu.VMEM((5, LANES), jnp.float32),
            pltpu.VMEM((b_per_w, LANES), jnp.float32),
            pltpu.VMEM((b_per_w, LANES), jnp.float32),
            pltpu.VMEM((b_per_w,), jnp.float32),
            pltpu.SemaphoreType.DMA,
            pltpu.SemaphoreType.DMA,
            pltpu.SemaphoreType.DMA,
        ],
    )(functools.partial(_sc_body, b_per_w=b_per_w))
    return kern(heads, rels, tails, etab, rtab, wsplit)


def kernel(sample, entity_embedding, relation_embedding, D_w, D_b):
    heads = sample[:, 0]
    rels = sample[:, 1]
    tails = sample[:, 2]
    wsplit = jnp.concatenate(
        [D_w[:, 0].reshape(4, LANES), jnp.broadcast_to(D_b, (1, LANES))],
        axis=0)
    out = _run(heads, rels, tails, entity_embedding, relation_embedding,
               wsplit)
    return out[:, None]

# --- scband reference (transcript-rebuilt; emitter-appended) ---
"""Pipeline reference for scband-kgemodel-63367947485298 (READ-ONLY COPY).

The authoritative reference and input builder live on the scoring server;
editing this copy changes nothing except your own understanding.
"""

import jax, jax.numpy as jnp
import numpy as np

NENTITY = 1000000
NRELATION = 1000
HIDDEN = 64
GAMMA = 12.0
EPSILON = 2.0
BATCH = 16384


def setup_inputs(seed: int = 0) -> dict:
    key = jax.random.key(seed)
    k1, k2, k3, k4, k5, k6 = jax.random.split(key, 6)
    heads = jax.random.randint(k1, (BATCH,), 0, NENTITY, dtype=jnp.int32)
    rels = jax.random.randint(k2, (BATCH,), 0, NRELATION, dtype=jnp.int32)
    tails = jax.random.randint(k3, (BATCH,), 0, NENTITY, dtype=jnp.int32)
    sample = jnp.stack([heads, rels, tails], axis=1)  # (B, 3)
    emb_range = (GAMMA + EPSILON) / HIDDEN
    entity_embedding = jax.random.uniform(
        k4, (NENTITY, HIDDEN), minval=-emb_range, maxval=emb_range, dtype=jnp.float32)
    relation_embedding = jax.random.uniform(
        k5, (NRELATION, HIDDEN), minval=-emb_range, maxval=emb_range, dtype=jnp.float32)
    kw, kb = jax.random.split(k6)
    D_w = jax.random.normal(kw, (HIDDEN, 1), dtype=jnp.float32) * 0.1
    D_b = jnp.zeros((1,), dtype=jnp.float32)
    return {
        'sample': sample,
        'entity_embedding': entity_embedding,
        'relation_embedding': relation_embedding,
        'D_w': D_w,
        'D_b': D_b,
    }


def _discriminator(z, D_w, D_b):
    # D: linear discriminator producing a per-triple confidence weight (B, 1, 1)
    return jax.nn.sigmoid(jnp.einsum('bnh,ho->bno', z, D_w) + D_b)


def reference(sample, entity_embedding, relation_embedding, D_w, D_b):
    # mode == 'single'
    head = jnp.take(entity_embedding, sample[:, 0], axis=0)[:, None, :]      # (B,1,H)
    relation = jnp.take(relation_embedding, sample[:, 1], axis=0)[:, None, :]  # (B,1,H)
    tail = jnp.take(entity_embedding, sample[:, 2], axis=0)[:, None, :]      # (B,1,H)
    z = head + relation - tail
    d = jax.lax.stop_gradient(_discriminator(z, D_w, D_b))  # .detach()
    score = d * z
    score = GAMMA - jnp.sum(jnp.abs(score), axis=2)  # L1 norm over dim=2 -> (B,1)
    return score

if __name__ == "__main__":
    import jax
    _d = setup_inputs()
    print(jax.jit(kernel)(*tuple(_d.values())))

</pallas_src>

<mosaic_0001>
#map = affine_map<(d0, d1) -> (0)>
#map1 = affine_map<(d0, d1) -> (0, 0)>
module attributes {stable_mosaic.version = 14 : i64} {
  func.func @_sc_body(%arg0: i32, %arg1: i32, %arg2: memref<16384xi32, #tpu.memory_space<hbm>>, %arg3: memref<16384xi32, #tpu.memory_space<hbm>>, %arg4: memref<16384xi32, #tpu.memory_space<hbm>>, %arg5: memref<1000000x64xf32, #tpu.memory_space<hbm>>, %arg6: memref<1000x64xf32, #tpu.memory_space<hbm>>, %arg7: memref<5x16xf32, #tpu.memory_space<hbm>>, %arg8: memref<16384xf32, #tpu.memory_space<hbm>>, %arg9: memref<512xi32, #tpu.memory_space<vmem>>, %arg10: memref<512xi32, #tpu.memory_space<vmem>>, %arg11: memref<512xi32, #tpu.memory_space<vmem>>, %arg12: memref<512x64xf32, #tpu.memory_space<vmem>>, %arg13: memref<512x64xf32, #tpu.memory_space<vmem>>, %arg14: memref<512x64xf32, #tpu.memory_space<vmem>>, %arg15: memref<5x16xf32, #tpu.memory_space<vmem>>, %arg16: memref<512x16xf32, #tpu.memory_space<vmem>>, %arg17: memref<512x16xf32, #tpu.memory_space<vmem>>, %arg18: memref<512xf32, #tpu.memory_space<vmem>>, %arg19: memref<!tpu.dma_semaphore, #tpu.memory_space<semaphore_mem>>, %arg20: memref<!tpu.dma_semaphore, #tpu.memory_space<semaphore_mem>>, %arg21: memref<!tpu.dma_semaphore, #tpu.memory_space<semaphore_mem>>) attributes {dimension_semantics = [#tpu.dimension_semantics<core_parallel>, #tpu.dimension_semantics<subcore_parallel>], iteration_bounds = array<i64: 2, 16>, scalar_prefetch = 0 : i64, scratch_operands = 13 : i64, tpu.core_type = #tpu.core_type<sc_vector_subcore>, window_params = [{transform_indices = #map}, {transform_indices = #map}, {transform_indices = #map}, {transform_indices = #map1}, {transform_indices = #map1}, {transform_indices = #map1}, {transform_indices = #map}]} {
    %mul3A = arith.constant 2 : i32
    %mul3A_0 = arith.muli %arg1, %mul3A : i32
    %add3A = arith.addi %mul3A_0, %arg0 : i32
    %mul3A_1 = arith.constant 512 : i32
    %mul3A_2 = arith.muli %add3A, %mul3A_1 : i32
    "tpu.region"() ({
      %run_scoped3A = tpu.sem_alloc : memref<!tpu.dma_semaphore, #tpu.memory_space<semaphore_mem>>
      %dma_start3A_50 = tpu.memref_slice %arg2[%mul3A_2] : memref<16384xi32, #tpu.memory_space<hbm>> -> memref<512xi32, #tpu.memory_space<hbm>>
      %dma_start3A_51 = tpu.memref_slice %arg2[%mul3A_2] : memref<16384xi32, #tpu.memory_space<hbm>> -> memref<512xi32, #tpu.memory_space<hbm>>
      tpu.enqueue_dma source(%dma_start3A_51 : memref<512xi32, #tpu.memory_space<hbm>>) target(%arg9 : memref<512xi32, #tpu.memory_space<vmem>>) target_semaphore(%run_scoped3A : memref<!tpu.dma_semaphore, #tpu.memory_space<semaphore_mem>>)
      %dma_wait3A_52 = tpu.memref_slice %arg2[%mul3A_2] : memref<16384xi32, #tpu.memory_space<hbm>> -> memref<512xi32, #tpu.memory_space<hbm>>
      %dma_wait3A_53 = tpu.memref_slice %arg2[%mul3A_2] : memref<16384xi32, #tpu.memory_space<hbm>> -> memref<512xi32, #tpu.memory_space<hbm>>
      tpu.wait_dma2 semaphore(%run_scoped3A : memref<!tpu.dma_semaphore, #tpu.memory_space<semaphore_mem>>) src(%dma_wait3A_53 : memref<512xi32, #tpu.memory_space<hbm>>) dst(%arg9 : memref<512xi32, #tpu.memory_space<vmem>>)
      tpu.yield
    }) : () -> ()
    "tpu.region"() ({
      %run_scoped3A = tpu.sem_alloc : memref<!tpu.dma_semaphore, #tpu.memory_space<semaphore_mem>>
      %dma_start3A_50 = tpu.memref_slice %arg3[%mul3A_2] : memref<16384xi32, #tpu.memory_space<hbm>> -> memref<512xi32, #tpu.memory_space<hbm>>
      %dma_start3A_51 = tpu.memref_slice %arg3[%mul3A_2] : memref<16384xi32, #tpu.memory_space<hbm>> -> memref<512xi32, #tpu.memory_space<hbm>>
      tpu.enqueue_dma source(%dma_start3A_51 : memref<512xi32, #tpu.memory_space<hbm>>) target(%arg10 : memref<512xi32, #tpu.memory_space<vmem>>) target_semaphore(%run_scoped3A : memref<!tpu.dma_semaphore, #tpu.memory_space<semaphore_mem>>)
      %dma_wait3A_52 = tpu.memref_slice %arg3[%mul3A_2] : memref<16384xi32, #tpu.memory_space<hbm>> -> memref<512xi32, #tpu.memory_space<hbm>>
      %dma_wait3A_53 = tpu.memref_slice %arg3[%mul3A_2] : memref<16384xi32, #tpu.memory_space<hbm>> -> memref<512xi32, #tpu.memory_space<hbm>>
      tpu.wait_dma2 semaphore(%run_scoped3A : memref<!tpu.dma_semaphore, #tpu.memory_space<semaphore_mem>>) src(%dma_wait3A_53 : memref<512xi32, #tpu.memory_space<hbm>>) dst(%arg10 : memref<512xi32, #tpu.memory_space<vmem>>)
      tpu.yield
    }) : () -> ()
    "tpu.region"() ({
      %run_scoped3A = tpu.sem_alloc : memref<!tpu.dma_semaphore, #tpu.memory_space<semaphore_mem>>
      %dma_start3A_50 = tpu.memref_slice %arg4[%mul3A_2] : memref<16384xi32, #tpu.memory_space<hbm>> -> memref<512xi32, #tpu.memory_space<hbm>>
      %dma_start3A_51 = tpu.memref_slice %arg4[%mul3A_2] : memref<16384xi32, #tpu.memory_space<hbm>> -> memref<512xi32, #tpu.memory_space<hbm>>
      tpu.enqueue_dma source(%dma_start3A_51 : memref<512xi32, #tpu.memory_space<hbm>>) target(%arg11 : memref<512xi32, #tpu.memory_space<vmem>>) target_semaphore(%run_scoped3A : memref<!tpu.dma_semaphore, #tpu.memory_space<semaphore_mem>>)
      %dma_wait3A_52 = tpu.memref_slice %arg4[%mul3A_2] : memref<16384xi32, #tpu.memory_space<hbm>> -> memref<512xi32, #tpu.memory_space<hbm>>
      %dma_wait3A_53 = tpu.memref_slice %arg4[%mul3A_2] : memref<16384xi32, #tpu.memory_space<hbm>> -> memref<512xi32, #tpu.memory_space<hbm>>
      tpu.wait_dma2 semaphore(%run_scoped3A : memref<!tpu.dma_semaphore, #tpu.memory_space<semaphore_mem>>) src(%dma_wait3A_53 : memref<512xi32, #tpu.memory_space<hbm>>) dst(%arg11 : memref<512xi32, #tpu.memory_space<vmem>>)
      tpu.yield
    }) : () -> ()
    "tpu.region"() ({
      %run_scoped3A = tpu.sem_alloc : memref<!tpu.dma_semaphore, #tpu.memory_space<semaphore_mem>>
      tpu.enqueue_dma source(%arg7 : memref<5x16xf32, #tpu.memory_space<hbm>>) target(%arg15 : memref<5x16xf32, #tpu.memory_space<vmem>>) target_semaphore(%run_scoped3A : memref<!tpu.dma_semaphore, #tpu.memory_space<semaphore_mem>>)
      tpu.wait_dma2 semaphore(%run_scoped3A : memref<!tpu.dma_semaphore, #tpu.memory_space<semaphore_mem>>) src(%arg7 : memref<5x16xf32, #tpu.memory_space<hbm>>) dst(%arg15 : memref<5x16xf32, #tpu.memory_space<vmem>>)
      tpu.yield
    }) : () -> ()
    %dma_start3A = arith.constant 0 : i32
    %dma_start3A_3 = arith.constant 0 : i32
    %dma_start3A_4 = tpu.memref_slice %arg5[%dma_start3A, %dma_start3A_3] : memref<1000000x64xf32, #tpu.memory_space<hbm>> -> memref<1000000x64xf32, #tpu.memory_space<hbm>>
    tpu.enqueue_indirect_dma source(%dma_start3A_4 : memref<1000000x64xf32, #tpu.memory_space<hbm>>) target(%arg12 : memref<512x64xf32, #tpu.memory_space<vmem>>) offsets(%arg9 : memref<512xi32, #tpu.memory_space<vmem>>) semaphore(%arg19 : memref<!tpu.dma_semaphore, #tpu.memory_space<semaphore_mem>>)
    %dma_start3A_5 = arith.constant 0 : i32
    %dma_start3A_6 = arith.constant 0 : i32
    %dma_start3A_7 = tpu.memref_slice %arg6[%dma_start3A_5, %dma_start3A_6] : memref<1000x64xf32, #tpu.memory_space<hbm>> -> memref<1000x64xf32, #tpu.memory_space<hbm>>
    tpu.enqueue_indirect_dma source(%dma_start3A_7 : memref<1000x64xf32, #tpu.memory_space<hbm>>) target(%arg13 : memref<512x64xf32, #tpu.memory_space<vmem>>) offsets(%arg10 : memref<512xi32, #tpu.memory_space<vmem>>) semaphore(%arg20 : memref<!tpu.dma_semaphore, #tpu.memory_space<semaphore_mem>>)
    %dma_start3A_8 = arith.constant 0 : i32
    %dma_start3A_9 = arith.constant 0 : i32
    %dma_start3A_10 = tpu.memref_slice %arg5[%dma_start3A_8, %dma_start3A_9] : memref<1000000x64xf32, #tpu.memory_space<hbm>> -> memref<1000000x64xf32, #tpu.memory_space<hbm>>
    tpu.enqueue_indirect_dma source(%dma_start3A_10 : memref<1000000x64xf32, #tpu.memory_space<hbm>>) target(%arg14 : memref<512x64xf32, #tpu.memory_space<vmem>>) offsets(%arg11 : memref<512xi32, #tpu.memory_space<vmem>>) semaphore(%arg21 : memref<!tpu.dma_semaphore, #tpu.memory_space<semaphore_mem>>)
    %dma_wait3A = arith.constant 0 : i32
    %dma_wait3A_11 = arith.constant 0 : i32
    %dma_wait3A_12 = tpu.memref_slice %arg5[%dma_wait3A, %dma_wait3A_11] : memref<1000000x64xf32, #tpu.memory_space<hbm>> -> memref<1000000x64xf32, #tpu.memory_space<hbm>>
    tpu.wait_indirect_dma semaphore(%arg19 : memref<!tpu.dma_semaphore, #tpu.memory_space<semaphore_mem>>) src(%dma_wait3A_12 : memref<1000000x64xf32, #tpu.memory_space<hbm>>) dst(%arg12 : memref<512x64xf32, #tpu.memory_space<vmem>>)
    %dma_wait3A_13 = arith.constant 0 : i32
    %dma_wait3A_14 = arith.constant 0 : i32
    %dma_wait3A_15 = tpu.memref_slice %arg6[%dma_wait3A_13, %dma_wait3A_14] : memref<1000x64xf32, #tpu.memory_space<hbm>> -> memref<1000x64xf32, #tpu.memory_space<hbm>>
    tpu.wait_indirect_dma semaphore(%arg20 : memref<!tpu.dma_semaphore, #tpu.memory_space<semaphore_mem>>) src(%dma_wait3A_15 : memref<1000x64xf32, #tpu.memory_space<hbm>>) dst(%arg13 : memref<512x64xf32, #tpu.memory_space<vmem>>)
    %dma_wait3A_16 = arith.constant 0 : i32
    %dma_wait3A_17 = arith.constant 0 : i32
    %dma_wait3A_18 = tpu.memref_slice %arg5[%dma_wait3A_16, %dma_wait3A_17] : memref<1000000x64xf32, #tpu.memory_space<hbm>> -> memref<1000000x64xf32, #tpu.memory_space<hbm>>
    tpu.wait_indirect_dma semaphore(%arg21 : memref<!tpu.dma_semaphore, #tpu.memory_space<semaphore_mem>>) src(%dma_wait3A_18 : memref<1000000x64xf32, #tpu.memory_space<hbm>>) dst(%arg14 : memref<512x64xf32, #tpu.memory_space<vmem>>)
    %get3A = arith.constant 0 : i32
    %get3A_19 = arith.index_cast %get3A : i32 to index
    %get3A_20 = arith.constant 0 : index
    %get3A_21 = tpu.vector_load %arg15[%get3A_19, %get3A_20] {strides = array<i32>} : memref<5x16xf32, #tpu.memory_space<vmem>>, vector<16xf32>,
    %get3A_22 = arith.constant 1 : i32
    %get3A_23 = arith.index_cast %get3A_22 : i32 to index
    %get3A_24 = arith.constant 0 : index
    %get3A_25 = tpu.vector_load %arg15[%get3A_23, %get3A_24] {strides = array<i32>} : memref<5x16xf32, #tpu.memory_space<vmem>>, vector<16xf32>,
    %get3A_26 = arith.constant 2 : i32
    %get3A_27 = arith.index_cast %get3A_26 : i32 to index
    %get3A_28 = arith.constant 0 : index
    %get3A_29 = tpu.vector_load %arg15[%get3A_27, %get3A_28] {strides = array<i32>} : memref<5x16xf32, #tpu.memory_space<vmem>>, vector<16xf32>,
    %get3A_30 = arith.constant 3 : i32
    %get3A_31 = arith.index_cast %get3A_30 : i32 to index
    %get3A_32 = arith.constant 0 : index
    %get3A_33 = tpu.vector_load %arg15[%get3A_31, %get3A_32] {strides = array<i32>} : memref<5x16xf32, #tpu.memory_space<vmem>>, vector<16xf32>,
    %get3A_34 = arith.constant 4 : i32
    %get3A_35 = arith.index_cast %get3A_34 : i32 to index
    %get3A_36 = arith.constant 0 : index
    %get3A_37 = tpu.vector_load %arg15[%get3A_35, %get3A_36] {strides = array<i32>} : memref<5x16xf32, #tpu.memory_space<vmem>>, vector<16xf32>,
    %scan3A = arith.constant 0 : i32
    %scan3A_38 = arith.constant 0 : i32
    %scan3A_39 = arith.constant 512 : i32
    %scan3A_40 = arith.addi %scan3A_38, %scan3A_39 : i32
    %scan3A_41 = arith.constant 1 : i32
    scf.for %scan3A_50 = %scan3A_38 to %scan3A_40 step %scan3A_41  : i32 {
      %broadcast_in_dim3A_51 = arith.constant 0.000000e+00 : f32
      %broadcast_in_dim3A_52 = vector.broadcast %broadcast_in_dim3A_51 : f32 to vector<16xf32>
      %broadcast_in_dim3A_53 = arith.constant 0.000000e+00 : f32
      %broadcast_in_dim3A_54 = vector.broadcast %broadcast_in_dim3A_53 : f32 to vector<16xf32>
      %get3A_55 = arith.index_cast %scan3A_50 : i32 to index
      %get3A_56 = arith.constant 0 : index
      %get3A_57 = tpu.vector_load %arg12[%get3A_55, %get3A_56] {strides = array<i32>} : memref<512x64xf32, #tpu.memory_space<vmem>>, vector<16xf32>,
      %get3A_58 = arith.index_cast %scan3A_50 : i32 to index
      %get3A_59 = arith.constant 0 : index
      %get3A_60 = tpu.vector_load %arg13[%get3A_58, %get3A_59] {strides = array<i32>} : memref<512x64xf32, #tpu.memory_space<vmem>>, vector<16xf32>,
      %get3A_61 = arith.index_cast %scan3A_50 : i32 to index
      %get3A_62 = arith.constant 0 : index
      %get3A_63 = tpu.vector_load %arg14[%get3A_61, %get3A_62] {strides = array<i32>} : memref<512x64xf32, #tpu.memory_space<vmem>>, vector<16xf32>,
      %add3A_64 = arith.addf %get3A_57, %get3A_60 : vector<16xf32>
      %sub3A = arith.subf %add3A_64, %get3A_63 : vector<16xf32>
      %abs3A = math.absf %sub3A : vector<16xf32>
      %add3A_65 = arith.addf %broadcast_in_dim3A_52, %abs3A : vector<16xf32>
      %mul3A_66 = arith.mulf %sub3A, %get3A_21 : vector<16xf32>
      %add3A_67 = arith.addf %broadcast_in_dim3A_54, %mul3A_66 : vector<16xf32>
      %get3A_68 = arith.index_cast %scan3A_50 : i32 to index
      %get3A_69 = arith.constant 16 : index
      %get3A_70 = tpu.vector_load %arg12[%get3A_68, %get3A_69] {strides = array<i32>} : memref<512x64xf32, #tpu.memory_space<vmem>>, vector<16xf32>,
      %get3A_71 = arith.index_cast %scan3A_50 : i32 to index
      %get3A_72 = arith.constant 16 : index
      %get3A_73 = tpu.vector_load %arg13[%get3A_71, %get3A_72] {strides = array<i32>} : memref<512x64xf32, #tpu.memory_space<vmem>>, vector<16xf32>,
      %get3A_74 = arith.index_cast %scan3A_50 : i32 to index
      %get3A_75 = arith.constant 16 : index
      %get3A_76 = tpu.vector_load %arg14[%get3A_74, %get3A_75] {strides = array<i32>} : memref<512x64xf32, #tpu.memory_space<vmem>>, vector<16xf32>,
      %add3A_77 = arith.addf %get3A_70, %get3A_73 : vector<16xf32>
      %sub3A_78 = arith.subf %add3A_77, %get3A_76 : vector<16xf32>
      %abs3A_79 = math.absf %sub3A_78 : vector<16xf32>
      %add3A_80 = arith.addf %add3A_65, %abs3A_79 : vector<16xf32>
      %mul3A_81 = arith.mulf %sub3A_78, %get3A_25 : vector<16xf32>
      %add3A_82 = arith.addf %add3A_67, %mul3A_81 : vector<16xf32>
      %get3A_83 = arith.index_cast %scan3A_50 : i32 to index
      %get3A_84 = arith.constant 32 : index
      %get3A_85 = tpu.vector_load %arg12[%get3A_83, %get3A_84] {strides = array<i32>} : memref<512x64xf32, #tpu.memory_space<vmem>>, vector<16xf32>,
      %get3A_86 = arith.index_cast %scan3A_50 : i32 to index
      %get3A_87 = arith.constant 32 : index
      %get3A_88 = tpu.vector_load %arg13[%get3A_86, %get3A_87] {strides = array<i32>} : memref<512x64xf32, #tpu.memory_space<vmem>>, vector<16xf32>,
      %get3A_89 = arith.index_cast %scan3A_50 : i32 to index
      %get3A_90 = arith.constant 32 : index
      %get3A_91 = tpu.vector_load %arg14[%get3A_89, %get3A_90] {strides = array<i32>} : memref<512x64xf32, #tpu.memory_space<vmem>>, vector<16xf32>,
      %add3A_92 = arith.addf %get3A_85, %get3A_88 : vector<16xf32>
      %sub3A_93 = arith.subf %add3A_92, %get3A_91 : vector<16xf32>
      %abs3A_94 = math.absf %sub3A_93 : vector<16xf32>
      %add3A_95 = arith.addf %add3A_80, %abs3A_94 : vector<16xf32>
      %mul3A_96 = arith.mulf %sub3A_93, %get3A_29 : vector<16xf32>
      %add3A_97 = arith.addf %add3A_82, %mul3A_96 : vector<16xf32>
      %get3A_98 = arith.index_cast %scan3A_50 : i32 to index
      %get3A_99 = arith.constant 48 : index
      %get3A_100 = tpu.vector_load %arg12[%get3A_98, %get3A_99] {strides = array<i32>} : memref<512x64xf32, #tpu.memory_space<vmem>>, vector<16xf32>,
      %get3A_101 = arith.index_cast %scan3A_50 : i32 to index
      %get3A_102 = arith.constant 48 : index
      %get3A_103 = tpu.vector_load %arg13[%get3A_101, %get3A_102] {strides = array<i32>} : memref<512x64xf32, #tpu.memory_space<vmem>>, vector<16xf32>,
      %get3A_104 = arith.index_cast %scan3A_50 : i32 to index
      %get3A_105 = arith.constant 48 : index
      %get3A_106 = tpu.vector_load %arg14[%get3A_104, %get3A_105] {strides = array<i32>} : memref<512x64xf32, #tpu.memory_space<vmem>>, vector<16xf32>,
      %add3A_107 = arith.addf %get3A_100, %get3A_103 : vector<16xf32>
      %sub3A_108 = arith.subf %add3A_107, %get3A_106 : vector<16xf32>
      %abs3A_109 = math.absf %sub3A_108 : vector<16xf32>
      %add3A_110 = arith.addf %add3A_95, %abs3A_109 : vector<16xf32>
      %mul3A_111 = arith.mulf %sub3A_108, %get3A_33 : vector<16xf32>
      %add3A_112 = arith.addf %add3A_97, %mul3A_111 : vector<16xf32>
      %broadcast_in_dim3A_113 = arith.constant true
      %broadcast_in_dim3A_114 = vector.broadcast %broadcast_in_dim3A_113 : i1 to vector<16xi1>
      %masked_cumsum3A = tpu.scan <sum>, %add3A_110 masked %broadcast_in_dim3A_114 : vector<16xf32>, vector<16xi1> -> vector<16xf32>
      %swap3A = arith.index_cast %scan3A_50 : i32 to index
      %swap3A_115 = arith.constant 0 : index
      %swap3A_116 = tpu.vector_load %arg16[%swap3A, %swap3A_115] {strides = array<i32>} : memref<512x16xf32, #tpu.memory_space<vmem>>, vector<16xf32>,
      tpu.vector_store %arg16[%swap3A, %swap3A_115], %masked_cumsum3A {strides = array<i32>} : memref<512x16xf32, #tpu.memory_space<vmem>>, vector<16xf32>,
      %broadcast_in_dim3A_117 = arith.constant true
      %broadcast_in_dim3A_118 = vector.broadcast %broadcast_in_dim3A_117 : i1 to vector<16xi1>
      %masked_cumsum3A_119 = tpu.scan <sum>, %add3A_112 masked %broadcast_in_dim3A_118 : vector<16xf32>, vector<16xi1> -> vector<16xf32>
      %swap3A_120 = arith.index_cast %scan3A_50 : i32 to index
      %swap3A_121 = arith.constant 0 : index
      %swap3A_122 = tpu.vector_load %arg17[%swap3A_120, %swap3A_121] {strides = array<i32>} : memref<512x16xf32, #tpu.memory_space<vmem>>, vector<16xf32>,
      tpu.vector_store %arg17[%swap3A_120, %swap3A_121], %masked_cumsum3A_119 {strides = array<i32>} : memref<512x16xf32, #tpu.memory_space<vmem>>, vector<16xf32>,
    }
    %scan3A_42 = arith.constant 512 : i32
    %iota3A = tpu.iota {dimensions = array<i32: 0>} : vector<16xi32>
    %broadcast_in_dim3A = arith.constant 15 : i32
    %broadcast_in_dim3A_43 = vector.broadcast %broadcast_in_dim3A : i32 to vector<16xi32>
    %scan3A_44 = arith.constant 0 : i32
    %scan3A_45 = arith.constant 0 : i32
    %scan3A_46 = arith.constant 32 : i32
    %scan3A_47 = arith.addi %scan3A_45, %scan3A_46 : i32
    %scan3A_48 = arith.constant 1 : i32
    scf.for %scan3A_50 = %scan3A_45 to %scan3A_47 step %scan3A_48  : i32 {
      %mul3A_51 = arith.constant 16 : i32
      %mul3A_52 = arith.muli %scan3A_50, %mul3A_51 : i32
      %add3A_53 = vector.broadcast %mul3A_52 : i32 to vector<16xi32>
      %add3A_54 = arith.addi %iota3A, %add3A_53 : vector<16xi32>
      %gather3A = tpu.vector_load_idx %arg16[%add3A_54, %broadcast_in_dim3A_43] : memref<512x16xf32, #tpu.memory_space<vmem>>[vector<16xi32>, vector<16xi32>], vector<16xf32>,
      %gather3A_55 = tpu.vector_load_idx %arg17[%add3A_54, %broadcast_in_dim3A_43] : memref<512x16xf32, #tpu.memory_space<vmem>>[vector<16xi32>, vector<16xi32>], vector<16xf32>,
      %add3A_56 = arith.addf %gather3A_55, %get3A_37 : vector<16xf32>
      %neg3A = arith.constant 0.000000e+00 : f32
      %neg3A_57 = vector.broadcast %neg3A : f32 to vector<16xf32>
      %neg3A_58 = arith.subf %neg3A_57, %add3A_56 : vector<16xf32>
      %exp3A = math.exp %neg3A_58 : vector<16xf32>
      %add3A_59 = arith.constant 1.000000e+00 : f32
      %add3A_60 = vector.broadcast %add3A_59 : f32 to vector<16xf32>
      %add3A_61 = arith.addf %add3A_60, %exp3A : vector<16xf32>
      %div3A = arith.constant 1.000000e+00 : f32
      %div3A_62 = vector.broadcast %div3A : f32 to vector<16xf32>
      %div3A_63 = arith.divf %div3A_62, %add3A_61 : vector<16xf32>
      %mul3A_64 = arith.mulf %div3A_63, %gather3A : vector<16xf32>
      %sub3A = arith.constant 1.200000e+01 : f32
      %sub3A_65 = vector.broadcast %sub3A : f32 to vector<16xf32>
      %sub3A_66 = arith.subf %sub3A_65, %mul3A_64 : vector<16xf32>
      %swap3A = arith.index_cast %mul3A_52 : i32 to index
      %swap3A_67 = tpu.vector_load %arg18[%swap3A] {strides = array<i32>} : memref<512xf32, #tpu.memory_space<vmem>>, vector<16xf32>,
      tpu.vector_store %arg18[%swap3A], %sub3A_66 {strides = array<i32>} : memref<512xf32, #tpu.memory_space<vmem>>, vector<16xf32>,
    }
    %scan3A_49 = arith.constant 32 : i32
    "tpu.region"() ({
      %run_scoped3A = tpu.sem_alloc : memref<!tpu.dma_semaphore, #tpu.memory_space<semaphore_mem>>
      %dma_start3A_50 = tpu.memref_slice %arg8[%mul3A_2] : memref<16384xf32, #tpu.memory_space<hbm>> -> memref<512xf32, #tpu.memory_space<hbm>>
      %dma_start3A_51 = tpu.memref_slice %arg8[%mul3A_2] : memref<16384xf32, #tpu.memory_space<hbm>> -> memref<512xf32, #tpu.memory_space<hbm>>
      tpu.enqueue_dma source(%arg18 : memref<512xf32, #tpu.memory_space<vmem>>) target(%dma_start3A_51 : memref<512xf32, #tpu.memory_space<hbm>>) target_semaphore(%run_scoped3A : memref<!tpu.dma_semaphore, #tpu.memory_space<semaphore_mem>>)
      %dma_wait3A_52 = tpu.memref_slice %arg8[%mul3A_2] : memref<16384xf32, #tpu.memory_space<hbm>> -> memref<512xf32, #tpu.memory_space<hbm>>
      %dma_wait3A_53 = tpu.memref_slice %arg8[%mul3A_2] : memref<16384xf32, #tpu.memory_space<hbm>> -> memref<512xf32, #tpu.memory_space<hbm>>
      tpu.wait_dma2 semaphore(%run_scoped3A : memref<!tpu.dma_semaphore, #tpu.memory_space<semaphore_mem>>) src(%arg18 : memref<512xf32, #tpu.memory_space<vmem>>) dst(%dma_wait3A_53 : memref<512xf32, #tpu.memory_space<hbm>>)
      tpu.yield
    }) : () -> ()
    return
  }
}

</mosaic_0001>

<sc_bundles>
// kernel: kernel.3.cloned.1.call-start
scs
__scs_entry_jumppad:
0x0: {  	(pc) =	sbr.rel $0x88, $3  }
0x1: {  	(tag) =	ssettag $0x0;
	lr =	simm.s32 $0x1  }
0x2: {  	[smem:$0x3F9C] =	sst lr;
	_ =	strace $0xD0000000  }
0x3: {  	_ = 	snop  }
0x4: {  	_ = 	snop  }
0x5: {  	_ = 	snop  }
0x6: {  	_ = 	snop  }
0x7: {  	_ = 	snop  }
__scs_overlays_trampoline_lowered:
0x8: {  	[smem:$0x3FAB] =	sst s0  }
0x9: {  	[smem:$0x3FAC] =	sst s1  }
0xa: {  	[smem:$0x3FAD] =	sst s2  }
0xb: {  	[smem:$0x3FAE] =	sst s3  }
0xc: {  	[smem:$0x3FAF] =	sst s4  }
0xd: {  	[smem:$0x3FB0] =	sst s5  }
0xe: {  	[smem:$0x3FB1] =	sst s6  }
0xf: {  	[smem:$0x3FB2] =	sst s7  }
0x10: {  	[smem:$0x3FB3] =	sst s8  }
0x11: {  	[smem:$0x3FB4] =	sst s9;
	s0 =	simm.s32 @!p0 $0x0  }
0x12: {  	s1 =	sld [smem:$0x3F9A];
	s0 =	simm.s32 @p0 $0x1  }
0x13: {  	[smem:$0x3FB5] =	sst s0;
	s0 =	simm.s32 @!p1 $0x0  }
0x14: {  	s2 =	sld [smem:$0x3F99];
	s0 =	simm.s32 @p1 $0x1  }
0x15: {  	[smem:$0x3FB6] =	sst s0;
	s0 =	simm.s32 @!p2 $0x0  }
0x16: {  	s3 =	sld [smem:$0x3FDB];
	s0 =	simm.s32 @p2 $0x1  }
0x17: {  	s4 =	simm.s32 $0x1BF5;
	[smem:$0x3FB8] =	sst s0  }
0x18: {  	s0 =	sld [smem:$0x3F9B];
	_ =	swait.ge [sflag:s4], $0x0  }
0x19: {  	s7 =	sld [smem:$0x3F9C]  }
0x1a: {  	s8 =	sadd.s32 $0xFFFFE003, lr  }
0x1b: {  	s9 =	sadd.s32 $0xFFFFFEF7, lr;
	s5 =	simm.s32 $0xFFFFFFFF;
	p2 =	slt.u32 s8, $0xFFFFF086  }
0x1c: {  	p1 =	slt.u32 s9, $0xF7A;
	s5 =	simm.s32 @!p2 $0x0  }
0x1d: {  	s5 =	simm.s32 @p1 $0x1;
	p0 =	seq.s32 s7, s2  }
0x1e: {  	s7 =	smul.u32 @!p0 $0xF7A, s2;
	p2 =	seq.s32 @!p0 s5, $0x0  }
0x1f: {  	s9 =	smul.u32 $0xF7A, s1;
	s8 =	simm.s32 @!p0 $0x1BF5;
	p2 =	por !p2, p0  }
0x20: {  	[sflag:s8] =	ssyncset.s32 @!p0 $0xFFFFF086;
	s6 =	sadd.s32 @!p0 s3, s7;
	s7 =	simm.s32 @!p0 $0x108  }
0x21: {  	s3 =	sadd.s32 s3, s9;
	s6 =	sadd.s32 @!p0 $0x88, s6;
	s7 =	simm.s32 @p2 $0x1082  }
0x22: {  	[simem:s7], [sflag:s8] =	dma.local @!p0 [hbm:s6], $0xF7A  }
0x23: {  	s9 =	sor.u32 $0xD0000000, s2;
	s6 =	simm.s32 $0x108;
	_ =	swait.ge @!p0 [sflag:s8], $0x0  }
0x24: {  	s3 =	sadd.s32 $0x88, s3;
	s6 =	simm.s32 @!p1 $0x1082;
	[sflag:s4] =	ssyncset.s32 $0xFFFFF086  }
0x25: {  	[simem:s6], [sflag:s4] =	dma.local [hbm:s3], $0xF7A  }
0x26: {  	[smem:$0x3F9C] =	sst s1;
	(tag) =	ssettag s2;
	_ =	strace s9  }
0x27: {  	s1 =	sld [smem:$0x3FAC]  }
0x28: {  	s2 =	sld [smem:$0x3FAD]  }
0x29: {  	s4 =	sld [smem:$0x3FAF]  }
0x2a: {  	p0 =	seq.s32 s5, $0x0;
	s5 =	sld [smem:$0x3FB0]  }
0x2b: {  	s6 =	sld [smem:$0x3FB1]  }
0x2c: {  	s7 =	sld [smem:$0x3FB2]  }
0x2d: {  	s3 =	simm.s32 $0x108;
	s8 =	sld [smem:$0x3FB3]  }
0x2e: {  	s3 =	simm.s32 @!p0 $0x1082;
	s9 =	sld [smem:$0x3FB4]  }
0x2f: {  	lr =	sadd.s32 s0, s3;
	s0 =	sld [smem:$0x3FAB]  }
0x30: {  	s3 =	sld [smem:$0x3FAE]  }
0x31: {  	[smem:$0x3FB7] =	sst s10  }
0x32: {  	s10 =	sld [smem:$0x3FB5];
	_ =	sdelay $0x3  }
0x33: {  	p0 =	seq.s32 s10, $0x1;
	s10 =	sld [smem:$0x3FB7];
	_ =	sdelay $0x3  }
0x34: {  	[smem:$0x3FB7] =	sst s10  }
0x35: {  	s10 =	sld [smem:$0x3FB6];
	_ =	sdelay $0x3  }
0x36: {  	p1 =	seq.s32 s10, $0x1;
	s10 =	sld [smem:$0x3FB7];
	_ =	sdelay $0x3  }
0x37: {  	[smem:$0x3FB7] =	sst s10  }
0x38: {  	s10 =	sld [smem:$0x3FB8]  }
0x39: {  	_ = 	snop;
	(pc) =	sbr.ind lr, $3  }
0x3a: {  	_ = 	snop  }
0x3b: {  	_ = 	snop  }
0x3c: {  	p2 =	seq.s32 s10, $0x1;
	s10 =	sld [smem:$0x3FB7]  }
0x3d: {  	_ =	shalt  }
0x3e: {  	_ =	shalt  }
0x3f: {  	_ =	shalt  }
0x40: {  	_ =	shalt  }
0x41: {  	_ =	shalt  }
0x42: {  	_ =	shalt  }
0x43: {  	_ =	shalt  }
0x44: {  	_ =	shalt  }
0x45: {  	_ =	shalt  }
0x46: {  	_ =	shalt  }
0x47: {  	_ =	shalt  }
0x48: {  	_ =	shalt  }
0x49: {  	_ =	shalt  }
0x4a: {  	_ =	shalt  }
0x4b: {  	_ =	shalt  }
0x4c: {  	_ =	shalt  }
0x4d: {  	_ =	shalt  }
0x4e: {  	_ =	shalt  }
0x4f: {  	_ =	shalt  }
0x50: {  	_ =	shalt  }
0x51: {  	_ =	shalt  }
0x52: {  	_ =	shalt  }
0x53: {  	_ =	shalt  }
0x54: {  	_ =	shalt  }
0x55: {  	_ =	shalt  }
0x56: {  	_ =	shalt  }
0x57: {  	_ =	shalt  }
0x58: {  	_ =	shalt  }
0x59: {  	_ =	shalt  }
0x5a: {  	_ =	shalt  }
0x5b: {  	_ =	shalt  }
0x5c: {  	_ =	shalt  }
0x5d: {  	_ =	shalt  }
0x5e: {  	_ =	shalt  }
0x5f: {  	_ =	shalt  }
0x60: {  	_ =	shalt  }
0x61: {  	_ =	shalt  }
0x62: {  	_ =	shalt  }
0x63: {  	_ =	shalt  }
0x64: {  	_ =	shalt  }
0x65: {  	_ =	shalt  }
0x66: {  	_ =	shalt  }
0x67: {  	_ =	shalt  }
0x68: {  	_ =	shalt  }
0x69: {  	_ =	shalt  }
0x6a: {  	_ =	shalt  }
0x6b: {  	_ =	shalt  }
0x6c: {  	_ =	shalt  }
0x6d: {  	_ =	shalt  }
0x6e: {  	_ =	shalt  }
0x6f: {  	_ =	shalt  }
0x70: {  	_ =	shalt  }
0x71: {  	_ =	shalt  }
0x72: {  	_ =	shalt  }
0x73: {  	_ =	shalt  }
0x74: {  	_ =	shalt  }
0x75: {  	_ =	shalt  }
0x76: {  	_ =	shalt  }
0x77: {  	_ =	shalt  }
0x78: {  	_ =	shalt  }
0x79: {  	_ =	shalt  }
0x7a: {  	_ =	shalt  }
0x7b: {  	_ =	shalt  }
0x7c: {  	_ =	shalt  }
0x7d: {  	_ =	shalt  }
0x7e: {  	_ =	shalt  }
0x7f: {  	_ =	shalt  }
0x80: {  	_ =	shalt  }
0x81: {  	_ =	shalt  }
0x82: {  	_ =	shalt  }
0x83: {  	_ =	shalt  }
0x84: {  	_ =	shalt  }
0x85: {  	_ =	shalt  }
0x86: {  	_ =	shalt  }
0x87: {  	_ =	shalt  }
.Lfunc_end0:
.L_simem_size_0:
called_computation_lowered:
.L_overlay_start_0:
0x88: {  	s2 =	sld [smem:$0x3FD9]  }
0x89: {  	s3 =	sld [smem:$0x3FFE];
	_ =	sdelay $0x1  }
0x8a: {  	s1 =	srdreg.scid  }
0x8b: {  	s0 =	sand.u32 $0x1, s1  }
0x8c: {  	s17 =	sshll.u32 s0, $0xA;
	s2 =	sadd.s32 s3, s2  }
0x8d: {  	s2 =	sadd.s32 s2, s17  }
0x8e: {  	[smem:$0x3FC3] =	sst s2  }
0x8f: {  	_ = 	snop  }
0x90: {  	s2 =	sld [smem:$0x3FD0];
	(tm) =	ssettm $0x1  }
0x91: {  	s18 =	sld [smem:$0x3FFB];
	_ =	sdelay $0x3  }
0x92: {  	_ =	strace s18  }
0x93: {  	s3 =	sld [smem:$0x3FFC];
	_ =	sdelay $0x3  }
0x94: {  	_ =	strace s3  }
0x95: {  	s3 =	sld [smem:$0x3FFD];
	_ =	sdelay $0x3  }
0x96: {  	_ =	strace s3  }
0x97: {  	_ =	strace $0x8FFFFFFF  }
0x98: {  	s19 =	sld [smem:$0x3FDB];
	_ =	sdelay $0x1  }
0x99: {  	s4 =	simm.s32 $_scs_section_size  }
0x9a: {  	s5 =	simm.s32 $_size__tile_overlayer_lowered;
	s6 =	simm.s32 $_tile_overlayer_lowered  }
0x9b: {  	s22 =	simm.s32 $0x1BFF;
	s21 =	sshll.u32 s6, $0x1;
	s3 =	sadd.s32 s4, s19  }
0x9c: {  	s7 =	simm.s32 $0x0;
	s20 =	sshll.u32 s5, $0x1;
	s5 =	sadd.s32 s21, s3  }
0x9d: {  	[timem:s7], [sflag:s22] =	dma.local [hbm:s5], s20  }
0x9e: {  	_ =	swait.ge [sflag:s22], s20  }
0x9f: {  	s4 =	ssub.s32 $0x0, s20;
	[sflag:s22] =	ssyncset.done $0x0  }
0xa0: {  	[sflag:s22] =	ssyncadd.s32 s4;
	_ =	sdelay $0x1  }
0xa1: {  	s23 =	simm.s32 $0x1B8B  }
0xa2: {  	_ =	swait.ge [sflag:s23], $0x1  }
0xa3: {  	[sflag:s23] =	ssyncset.done $0x0  }
0xa4: {  	s25 =	simm.s32 $0x1B8E;
	s24 =	sld [smem:$0x3FFE];
	[sflag:s23] =	ssyncadd.s32 $0xFFFFFFFF  }
0xa5: {  	s26 =	simm.s32 $execute0_lowered;
	[smem:$0x3FD2] =	sst s25  }
0xa6: {  	s5 =	sshll.u32 s26, $0x1;
	_ =	strace $0x80000046;
	[dreg:$0x1] =	wrdreg $0xFFFFFFFF  }
0xa7: {  	s28 =	simm.s32 $_size_execute0_lowered;
	s3 =	sadd.s32 s3, s5;
	[dreg:$0x0] =	wrdreg $0x0  }
0xa8: {  	s5 =	sshll.u32 s28, $0x1;
	[dreg:$0x2] =	wrdreg s3  }
0xa9: {  	[dreg:$0x3] =	wrdreg s5  }
0xaa: {  	[dreg:$0x4] =	wrdreg $0xC0  }
0xab: {  	_ =	task [dreg:s7], $0x5FFFF  }
0xac: {  	[dreg:$0x1] =	wrdreg $0xFFFFFFFF  }
0xad: {  	[dreg:$0x0] =	wrdreg $0x60  }
0xae: {  	[dreg:$0x2] =	wrdreg s24  }
0xaf: {  	[dreg:$0x3] =	wrdreg s2  }
0xb0: {  	[dreg:$0x4] =	wrdreg $0x9  }
0xb1: {  	_ =	task.clear_ibuf [dreg:s7], $0x5FFFF;
	_ =	strace $0x90000046  }
0xb2: {  	s29 =	simm.s32 $0x9;
	_ =	strace $0x80000048  }
0xb3: {  	_ =	swait.ge [sflag:s29], $0x1  }
0xb4: {  	[sflag:s29] =	ssyncadd.s32 $0xFFFFFFFF  }
0xb5: {  	_ =	strace $0x90000048  }
0xb6: {  	_ =	sfence  }
0xb7: {  	s30 =	sld [smem:$0x0];
	_ =	sdelay $0x2  }
0xb8: {  	s31 =	sshll.u32 s1, $0xD;
	s1 =	sshrl.u32 s1, $0x2  }
0xb9: {  	s3 =	sand.u32 $0x4000, s31;
	s1 =	sadd.s32 s1, s30  }
0xba: {  	s0 =	sor.u32 s3, s0;
	s1 =	sshll.u32 s1, $0x11  }
0xbb: {  	s0 =	sor.u32 s1, s0  }
0xbc: {  	s0 =	sadd.s32 $0x8F2B, s0  }
0xbd: {  	[sflag:s0] =	ssyncadd.remote.s32 $0x1  }
0xbe: {  	_ =	sfence.sel $0xFFFF  }
0xbf: {  	[dreg:$0x0] =	wrdreg $0xFFFFFFFF;
	(pc) =	sbr.abs _section_cstart, $3  }
0xc0: {  	[dreg:$0x1] =	wrdreg $0xFFFFFFFF  }
0xc1: {  	_ =	task.clear_ibuf [dreg:s7], $0x2FFFF;
	_ =	strace $0x9FFFFFFF  }
0xc2: {  	(tm) =	ssettm $0x7FFFFFFF  }
0xc3: {  	_ =	shalt  }
tec
execute0_lowered:
.L_overlay_start_1:
0x0: {  	(tag) =	ssettag $0x1  }
0x1: {  	s5 =	rddreg [dreg:$0x0]  }
0x2: {  	s9 =	rddreg [dreg:$0x1];
	s2 =	srdreg.scid  }
0x3: {  	s0 =	rddreg [dreg:$0x2];
	s1 =	stileid.u32  }
0x4: {  	s12 =	simm.s32 $0x200;
	s13 =	simm.s32 $0x400;
	s14 =	simm.s32 $0x18600  }
0x5: {  	s15 =	simm.s32 $0x600;
	s16 =	simm.s32 $0x8600;
	s17 =	simm.s32 $0x10600  }
0x6: {  	s18 =	simm.s32 $0x1;
	s19 =	simm.s32 $0x2;
	s20 =	simm.s32 $0x3  }
0x7: {  	s21 =	simm.s32 $0x18650;
	s22 =	simm.s32 $0x1A650;
	s23 =	simm.s32 $0x1C650  }
0x8: {  	s24 =	simm.s32 $0x0;
	s3 =	sand.u32 $0x1, s2;
	s2 =	simm.s32 $0x0  }
0x9: {  	s4 =	sshll.u32 s1, $0x7;
	s6 =	sshll.u32 s3, $0x6;
	[smem:$0x7FF] =	sst s2  }
0xa: {  	s31 =	ssub.s32 $0x2, s3;
	s3 =	sadd.s32 $0xF44200, s5;
	s10 =	sor.u32 s6, s4  }
0xb: {  	_ =	strace $0x80000047;
	s4 =	sadd.s32 $0x1E00, s5;
	s7 =	sshrl.u32 s31, $0x1  }
0xc: {  	s8 =	sadd.s32 s10, s5;
	s5 =	sadd.s32 $0x3E00, s5;
	s11 =	ssub.s32 s31, s7  }
0xd: {  	v0 =	vlaneseq.u32;
	s9 =	sadd.s32 s9, s10;
	s6 =	sadd.s32 $0x1600, s8;
	s7 =	sadd.s32 $0xE00, s8  }
0xe: {  	v0 =	vmul.u32 $0x10, v0;
	s8 =	sadd.s32 $0x600, s8;
	s10 =	smax.u32 s11, $0x1;
	s11 =	simm.s32 $0x4  }
.LBB2_1:
0xf: {  	[tilespmem:s2], [sflag:$0x4] =	stream.linear.gather [hbm4b:s6+s2], $0x200, $0x38;
	[tilespmem:$0x1C850] =	vst v63  }
0x10: {  	_ =	swait.ge [sflag:s11], $0x200  }
0x11: {  	[sflag:s11] =	ssyncset.done $0x0  }
0x12: {  	[sflag:s11] =	ssyncadd.s32 $0xFFFFFE00  }
0x13: {  	[tilespmem:s12], [sflag:$0x4] =	stream.linear.gather [hbm4b:s7+s2], $0x200, $0x38;
	[tilespmem:$0x1C850] =	vst v63  }
0x14: {  	_ =	swait.ge [sflag:s11], $0x200  }
0x15: {  	[sflag:s11] =	ssyncset.done $0x0  }
0x16: {  	[sflag:s11] =	ssyncadd.s32 $0xFFFFFE00  }
0x17: {  	[tilespmem:s13], [sflag:$0x4] =	stream.linear.gather [hbm4b:s8+s2], $0x200, $0x38;
	[tilespmem:$0x1C850] =	vst v63  }
0x18: {  	_ =	swait.ge [sflag:s11], $0x200  }
0x19: {  	[sflag:s11] =	ssyncset.done $0x0  }
0x1a: {  	[sflag:s11] =	ssyncadd.s32 $0xFFFFFE00  }
0x1b: {  	[tilespmem:s14], [sflag:$0x4] =	stream.linear.gather [hbm4b:s5+s2], $0x50, $0x38;
	[tilespmem:$0x1C850] =	vst v63  }
0x1c: {  	_ =	swait.ge [sflag:s11], $0x50  }
0x1d: {  	[sflag:s11] =	ssyncset.done $0x0  }
0x1e: {  	[sflag:s11] =	ssyncadd.s32 $0xFFFFFFB0  }
0x1f: {  	[tilespmem:s15], [sflag:$0x1] =	stream.indirect.gather [hbm4b:s3+s12], $0x40, s2, s12, $0xb8;
	[tilespmem:$0x1C850] =	vst v63  }
0x20: {  	_ = 	snop  }
0x21: {  	[tilespmem:s16], [sflag:$0x2] =	stream.indirect.gather [hbm4b:s4+s12], $0x40, s12, s12, $0xb8;
	[tilespmem:$0x1C850] =	vst v63  }
0x22: {  	_ = 	snop  }
0x23: {  	[tilespmem:s17], [sflag:$0x3] =	stream.indirect.gather [hbm4b:s3+s12], $0x40, s13, s12, $0xb8;
	[tilespmem:$0x1C850] =	vst v63  }
0x24: {  	_ =	swait.ge [sflag:s18], $0x8000  }
0x25: {  	[sflag:s18] =	ssyncset.done $0x0  }
0x26: {  	[sflag:s18] =	ssyncadd.s32 $0xFFFF8000  }
0x27: {  	_ =	swait.ge [sflag:s19], $0x8000  }
0x28: {  	[sflag:s19] =	ssyncset.done $0x0  }
0x29: {  	[sflag:s19] =	ssyncadd.s32 $0xFFFF8000  }
0x2a: {  	_ =	swait.ge [sflag:s20], $0x8000  }
0x2b: {  	[sflag:s20] =	ssyncset.done $0x0  }
0x2c: {  	s25 =	simm.s32 $0x0;
	[sflag:s20] =	ssyncadd.s32 $0xFFFF8000  }
0x2d: {  	v1 =	vld [tilespmem:s25+$0x600]  }
0x2e: {  	v4 =	vld [tilespmem:s25+$0x8620]  }
0x2f: {  	v5 =	vld [tilespmem:s25+$0x10620]  }
0x30: {  	v3 =	vld [tilespmem:s25+$0x8610]  }
0x31: {  	v6 =	vld [tilespmem:s25+$0x620]  }
0x32: {  	v7 =	vld [tilespmem:s25+$0x610]  }
0x33: {  	v8 =	vld [tilespmem:s25+$0x8600]  }
0x34: {  	v9 =	vld [tilespmem:s25+$0x10610]  }
0x35: {  	v10 =	vld [tilespmem:s25+$0x10600]  }
0x36: {  	v11 =	vld [tilespmem:s25+$0x8630]  }
0x37: {  	v12 =	vld [tilespmem:s25+$0x630]  }
0x38: {  	v2 =	vld [tilespmem:$0x18600]  }
0x39: {  	v13 =	vld [tilespmem:s25+$0x10630];
	v7 =	vadd.f32 v3, v7;
	v1 =	vadd.f32 v8, v1  }
0x3a: {  	v3 =	vld [tilespmem:$0x18610];
	v4 =	vadd.f32 v4, v6  }
0x3b: {  	v7 =	vsub.f32 v7, v9;
	v1 =	vsub.f32 v1, v10  }
0x3c: {  	v12 =	vadd.f32 v11, v12;
	v6 =	vsub.f32 v4, v5;
	v4 =	vld [tilespmem:$0x18620]  }
0x3d: {  	v8 =	vand.u32 $0x7FFFFFFF, v7;
	v9 =	vand.u32 $0x7FFFFFFF, v1;
	v10 =	vmul.f32 v1, v2  }
0x3e: {  	s28 =	simm.s32 $0x100;
	s29 =	simm.s32 $0x18650;
	v5 =	vld [tilespmem:$0x18630];
	v8 =	vadd.f32 v8, v9;
	v9 =	vand.u32 $0x7FFFFFFF, v6  }
0x3f: {  	s30 =	simm.s32 $0x1A650;
	s26 =	simm.s32 $0x18650;
	s25 =	simm.s32 $0x1A650;
	v1 =	vld [tilespmem:$0x18640];
	v11 =	vmul.f32 v7, v3;
	v7 =	vsub.f32 v12, v13;
	v10 =	vadd.f32 $0.0e+00, v10  }
.LBB2_2:
0x40: {  	p0 =	sne.s32 s28, $0x1FF00;
	v8 =	vadd.f32 v9, v8;
	s29 =	sadd.s32 $0x10, s29;
	s30 =	sadd.s32 $0x10, s30  }
0x41: {  	v6 =	vmul.f32 v6, v4;
	s31 =	smov.u32 s28;
	s28 =	sadd.s32 $0x100, s28;
	v9 =	vadd.f32 v11, v10;
	v10 =	vand.u32 $0x7FFFFFFF, v7  }
0x42: {  	v8 =	vadd.f32 v10, v8  }
0x43: {  	v7 =	vmul.f32 v7, v5;
	v6 =	vadd.f32 v6, v9  }
0x44: {  	(xrf2) =	vadd.scan.msk.f32 $0xffff, v8  }
0x45: {  	v6 =	vadd.f32 v7, v6  }
0x46: {  	s31 =	sshra.s32 s31, $0x2  }
0x47: {  	(xrf2) =	vadd.scan.msk.f32 $0xffff, v6;
	_ =	sdelay $0x6  }
0x48: {  	v6, _, _ =	vpop (xrf2)  }
0x49: {  	[tilespmem:s26+$0x0] =	vst v6;
	s26 =	smov.u32 s29;
	_ =	sdelay $0x1  }
0x4a: {  	v6, _, _ =	vpop (xrf2)  }
0x4b: {  	[tilespmem:s25+$0x0] =	vst v6;
	s25 =	smov.u32 s30  }
0x4c: {  	v6 =	vld [tilespmem:s31+$0x600]  }
0x4d: {  	v7 =	vld [tilespmem:s31+$0x8620]  }
0x4e: {  	v8 =	vld [tilespmem:s31+$0x10620]  }
0x4f: {  	v9 =	vld [tilespmem:s31+$0x8610]  }
0x50: {  	v10 =	vld [tilespmem:s31+$0x620]  }
0x51: {  	v11 =	vld [tilespmem:s31+$0x610]  }
0x52: {  	v12 =	vld [tilespmem:s31+$0x8600]  }
0x53: {  	v13 =	vld [tilespmem:s31+$0x10610]  }
0x54: {  	v14 =	vld [tilespmem:s31+$0x10600]  }
0x55: {  	v7 =	vadd.f32 v7, v10;
	v10 =	vld [tilespmem:s31+$0x8630]  }
0x56: {  	v9 =	vadd.f32 v9, v11;
	v11 =	vld [tilespmem:s31+$0x630]  }
0x57: {  	v12 =	vadd.f32 v12, v6;
	v6 =	vsub.f32 v7, v8  }
0x58: {  	v7 =	vsub.f32 v9, v13;
	v13 =	vld [tilespmem:s31+$0x10630]  }
.Ltmp0:
0x59: {  	v8 =	vsub.f32 v12, v14;
	(pc) =	sbr.rel @p0 .LBB2_2-.Ltmp0, $4  }
0x5a: {  	v9 =	vand.u32 $0x7FFFFFFF, v7  }
0x5b: {  	v12 =	vand.u32 $0x7FFFFFFF, v8;
	v14 =	vmul.f32 v8, v2;
	v15 =	vadd.f32 v10, v11  }
0x5c: {  	v8 =	vadd.f32 v9, v12;
	v9 =	vand.u32 $0x7FFFFFFF, v6  }
0x5d: {  	v11 =	vmul.f32 v7, v3;
	v10 =	vadd.f32 $0.0e+00, v14;
	v7 =	vsub.f32 v15, v13  }
0x5e: {  	_ = 	snop  }
0x5f: {  	v3 =	vmul.f32 v6, v4;
	v2 =	vadd.f32 v11, v10  }
0x60: {  	v4 =	vadd.f32 v9, v8  }
0x61: {  	v63 =	vand.u32 $0x7FFFFFFF, v7;
	v2 =	vadd.f32 v3, v2;
	v3 =	vmul.f32 v7, v5  }
0x62: {  	v4 =	vadd.f32 v63, v4  }
0x63: {  	v2 =	vadd.f32 v3, v2  }
0x64: {  	(xrf2) =	vadd.scan.msk.f32 $0xffff, v4  }
0x65: {  	(xrf2) =	vadd.scan.msk.f32 $0xffff, v2;
	_ =	sdelay $0x2  }
0x66: {  	s28 =	simm.s32 $0x0  }
0x67: {  	v2 =	vmov s28  }
0x68: {  	v2 =	vshll.u32 v2, $0x4  }
0x69: {  	v2 =	vor.u32 v0, v2  }
0x6a: {  	v2 =	vor.u32 $0xF, v2;
	_ =	sdelay $0x1  }
0x6b: {  	v3, _, _ =	vpop (xrf2)  }
0x6c: {  	[tilespmem:s26+$0x0] =	vst v3;
	v3, _, _ =	vpop (xrf2)  }
0x6d: {  	[tilespmem:s25+$0x0] =	vst v3  }
0x6e: {  	v3 =	vld.idx.msk [tilespmem:v2+s22+$0x0], $0xffff;
	_ =	sdelay $0x4  }
0x6f: {  	v3 =	vadd.f32 v3, v1;
	_ =	sdelay $0x1  }
0x70: {  	v3 =	vsub.f32 $0.0e+00, v3;
	_ =	sdelay $0x1  }
0x71: {  	v3 =	vmul.f32 $1.442695020e+00, v3;
	_ =	sdelay $0x1  }
0x72: {  	(erf) = vpow2.f32 v3;
	_ =	sdelay $0x8  }
0x73: {  	v3 =	vpop (erf)  }
0x74: {  	v3 =	vadd.f32 $1.000000000e+00, v3;
	_ =	sdelay $0x1  }
0x75: {  	(erf) = vrcp.f32 v3;
	_ =	sdelay $0x4  }
0x76: {  	v2 =	vld.idx.msk [tilespmem:v2+s21+$0x0], $0xffff  }
0x77: {  	s30 =	simm.s32 $0x10  }
0x78: {  	v3 =	vmov s30  }
0x79: {  	v3 =	vshll.u32 v3, $0x4  }
0x7a: {  	v3 =	vor.u32 v0, v3;
	v4 =	vpop (erf)  }
0x7b: {  	v3 =	vor.u32 $0xF, v3;
	v2 =	vmul.f32 v4, v2;
	_ =	sdelay $0x1  }
0x7c: {  	v2 =	vsub.f32 $1.200000000e+01, v2  }
0x7d: {  	s25 =	simm.s32 $0x1C650  }
0x7e: {  	[tilespmem:s25+$0x0] =	vst v2  }
0x7f: {  	v2 =	vld.idx.msk [tilespmem:v3+s22+$0x0], $0xffff;
	_ =	sdelay $0x4  }
0x80: {  	v2 =	vadd.f32 v2, v1;
	_ =	sdelay $0x1  }
0x81: {  	v2 =	vsub.f32 $0.0e+00, v2;
	_ =	sdelay $0x1  }
0x82: {  	v2 =	vmul.f32 $1.442695020e+00, v2;
	_ =	sdelay $0x1  }
0x83: {  	(erf) = vpow2.f32 v2;
	_ =	sdelay $0x8  }
0x84: {  	v2 =	vpop (erf)  }
0x85: {  	v2 =	vadd.f32 $1.000000000e+00, v2;
	_ =	sdelay $0x1  }
0x86: {  	(erf) = vrcp.f32 v2;
	_ =	sdelay $0x4  }
0x87: {  	v2 =	vld.idx.msk [tilespmem:v3+s21+$0x0], $0xffff  }
0x88: {  	s31 =	simm.s32 $0x20  }
0x89: {  	s26 =	simm.s32 $0x30;
	v3 =	vmov s31  }
.LBB2_4:
0x8a: {  	p0 =	sne.s32 s26, $0x1F0;
	v3 =	vshll.u32 v3, $0x4  }
0x8b: {  	v3 =	vor.u32 v0, v3;
	v4 =	vpop (erf)  }
0x8c: {  	v3 =	vor.u32 $0xF, v3;
	v2 =	vmul.f32 v4, v2;
	_ =	sdelay $0x1  }
0x8d: {  	v2 =	vsub.f32 $1.200000000e+01, v2  }
0x8e: {  	s25 =	sadd.s32 $0x10, s25  }
0x8f: {  	[tilespmem:s25+$0x0] =	vst v2  }
0x90: {  	v2 =	vld.idx.msk [tilespmem:v3+s22+$0x0], $0xffff;
	_ =	sdelay $0x5  }
0x91: {  	v2 =	vadd.f32 v2, v1;
	_ =	sdelay $0x1  }
0x92: {  	v2 =	vsub.f32 $0.0e+00, v2;
	_ =	sdelay $0x1  }
0x93: {  	v2 =	vmul.f32 $1.442695020e+00, v2;
	_ =	sdelay $0x1  }
0x94: {  	(erf) = vpow2.f32 v2;
	_ =	sdelay $0x8  }
0x95: {  	v2 =	vpop (erf)  }
0x96: {  	v2 =	vadd.f32 $1.000000000e+00, v2;
	_ =	sdelay $0x1  }
0x97: {  	(erf) = vrcp.f32 v2;
	_ =	sdelay $0x2  }
.Ltmp1:
0x98: {  	(pc) =	sbr.rel @p0 .LBB2_4-.Ltmp1, $2  }
0x99: {  	v2 =	vld.idx.msk [tilespmem:v3+s21+$0x0], $0xffff;
	_ =	sdelay $0x2  }
0x9a: {  	v3 =	vmov s26;
	s26 =	sadd.s32 $0x10, s26  }
0x9b: {  	v3 =	vshll.u32 v3, $0x4  }
0x9c: {  	v3 =	vor.u32 v0, v3;
	v4 =	vpop (erf)  }
0x9d: {  	v3 =	vor.u32 $0xF, v3;
	v2 =	vmul.f32 v4, v2;
	_ =	sdelay $0x1  }
0x9e: {  	v2 =	vsub.f32 $1.200000000e+01, v2  }
0x9f: {  	s25 =	sadd.s32 $0x10, s25  }
0xa0: {  	[tilespmem:s25+$0x0] =	vst v2  }
0xa1: {  	v2 =	vld.idx.msk [tilespmem:v3+s22+$0x0], $0xffff;
	_ =	sdelay $0x4  }
0xa2: {  	v1 =	vadd.f32 v2, v1;
	_ =	sdelay $0x1  }
0xa3: {  	v1 =	vsub.f32 $0.0e+00, v1;
	_ =	sdelay $0x1  }
0xa4: {  	v1 =	vmul.f32 $1.442695020e+00, v1;
	_ =	sdelay $0x1  }
0xa5: {  	(erf) = vpow2.f32 v1;
	_ =	sdelay $0x8  }
0xa6: {  	v1 =	vpop (erf)  }
0xa7: {  	v1 =	vadd.f32 $1.000000000e+00, v1;
	_ =	sdelay $0x1  }
0xa8: {  	(erf) = vrcp.f32 v1;
	_ =	sdelay $0x4  }
0xa9: {  	v1 =	vld.idx.msk [tilespmem:v3+s21+$0x0], $0xffff;
	_ =	sdelay $0x3  }
0xaa: {  	v2 =	vpop (erf)  }
0xab: {  	v1 =	vmul.f32 v2, v1;
	_ =	sdelay $0x1  }
0xac: {  	s24 =	sadd.s32 $0x1, s24;
	v1 =	vsub.f32 $1.200000000e+01, v1  }
0xad: {  	p0 =	sne.s32 s24, s10;
	s25 =	sadd.s32 $0x10, s25  }
.Ltmp2:
0xae: {  	[tilespmem:s25+$0x0] =	vst v1;
	(pc) =	sbr.rel @p0 .LBB2_1-.Ltmp2, $4  }
0xaf: {  	[hbm4b:s9+s2] =	stream.linear.scatter [tilespmem:s23], [sflag:$0x4], $0x200, $0x38;
	[tilespmem:$0x1C850] =	vst v63  }
0xb0: {  	_ =	swait.ge [sflag:s11], $0x200  }
0xb1: {  	[sflag:s11] =	ssyncset.done $0x0  }
0xb2: {  	[sflag:s11] =	ssyncadd.s32 $0xFFFFFE00  }
0xb3: {  	_ =	sfence.sel $0x180000  }
0xb4: {  	[bflag:$0x0] =	sbarrier.arrive $0xFFFF  }
0xb5: {  	p0 =	sne.s32 s1, $0x0;
	_ =	strace $0x90000047  }
0xb6: {  	s0 =	sadd.s32 @!p0 $0x100000, s0;
	[bflag:$0x2] =	sbarrier.arrive $0xFFFF  }
0xb7: {  	[sflag:s0] =	ssyncadd.tile.s32 @!p0 $0x1;
	_ =	shalt  }
.Lfunc_end2:
_tile_overlayer_lowered:
.L_overlay_start_2:
0xb8: {  	(tag) =	ssettag $0x2  }
0xb9: {  	s0 =	rddreg [dreg:$0x0];
	s2 =	stileid.u32  }
0xba: {  	s1 =	rddreg [dreg:$0x1];
	p0 =	sne.s32 s2, $0x0  }
0xbb: {  	s3 =	rddreg [dreg:$0x2];
	[bflag:$0x3] =	sbarrier.arrive $0xFFFF;
	s2 =	simm.s32 @!p0 $0x1C04  }
0xbc: {  	[timem:s3], [sflag:s2] =	dma.local @!p0 [hbm:s0], s1  }
0xbd: {  	s0 =	simm.s32 @!p0 $0x4  }
0xbe: {  	_ =	swait.ge @!p0 [sflag:s0], s1  }
0xbf: {  	s1 =	ssub.s32 @!p0 $0x0, s1;
	[sflag:s0] =	ssyncset.done @!p0 $0x0  }
0xc0: {  	[sflag:s0] =	ssyncadd.s32 @!p0 s1  }
0xc1: {  	[bflag:$0x3] =	sbarrier.arrive $0xFFFF  }
0xc2: {  	_ =	shalt  }

</sc_bundles>
